<compile_context>
chip_gen: v7x
topology: tpu7x:2x2x1
jax: 0.10.2.dev20260603
libtpu: 0.0.44.dev20260713+nightly
codegen_flags: <defaults>
</compile_context>

<pallas_src>
import functools

import jax
import jax.numpy as jnp
from jax import lax
from jax.experimental import pallas as pl
from jax.experimental.pallas import tpu as pltpu
from jax.experimental.pallas import tpu_sc as plsc

_NUM_CORES = 2
_NUM_SUBCORES = 16
_LANES = 16
_IDX_CHUNK = 128



@functools.lru_cache(maxsize=None)
def _build_matvec(D, N, w_half, add_bias, blk):
    grid = (N + blk - 1) // blk

    def body(w_ref, b_ref, t_ref, z_ref):
        wh = w_ref[0, pl.ds(w_half * D, D)]
        z = jnp.dot(wh, t_ref[...], preferred_element_type=jnp.float32)
        if add_bias:
            z = z + b_ref[0]
        z_ref[...] = z

    return pl.pallas_call(
        body,
        grid=(grid,),
        in_specs=[
            pl.BlockSpec((1, 2 * D), lambda i: (0, 0)),
            pl.BlockSpec(memory_space=pltpu.SMEM),
            pl.BlockSpec((D, blk), lambda i: (0, i)),
        ],
        out_specs=pl.BlockSpec((blk,), lambda i: (i,)),
        out_shape=jax.ShapeDtypeStruct((N,), jnp.float32),
    )


@functools.lru_cache(maxsize=None)
def _build_sc_gather(B, b_per_w, n_chunks):
    mesh = plsc.VectorSubcoreMesh(
        core_axis_name="c",
        subcore_axis_name="s",
        num_cores=_NUM_CORES,
        num_subcores=_NUM_SUBCORES,
    )

    @functools.partial(
        pl.kernel,
        out_type=jax.ShapeDtypeStruct((B,), jnp.float32),
        mesh=mesh,
        compiler_params=pltpu.CompilerParams(
            needs_layout_passes=False, use_tc_tiling_on_sc=False),
        scratch_types=[
            pltpu.VMEM((b_per_w,), jnp.int32),
            pltpu.VMEM((b_per_w,), jnp.int32),
            pltpu.VMEM((b_per_w,), jnp.float32),
            pltpu.VMEM((b_per_w,), jnp.float32),
            pltpu.VMEM((b_per_w,), jnp.float32),
            pltpu.SemaphoreType.DMA,
            pltpu.SemaphoreType.DMA,
        ],
    )
    def sc_kernel(uid_hbm, mid_hbm, zu_hbm, zm_hbm, out_hbm,
                  uid_v, mid_v, zu_v, zm_v, out_v, su, sm):
        wid = lax.axis_index("s") * _NUM_CORES + lax.axis_index("c")
        base = wid * b_per_w

        pltpu.sync_copy(uid_hbm.at[pl.ds(base, b_per_w)], uid_v)
        pltpu.sync_copy(mid_hbm.at[pl.ds(base, b_per_w)], mid_v)

        copies = []
        for c in range(n_chunks):
            s = pl.ds(c * _IDX_CHUNK, _IDX_CHUNK)
            copies.append((
                pltpu.async_copy(zu_hbm.at[uid_v.at[s]], zu_v.at[s], su),
                pltpu.async_copy(zm_hbm.at[mid_v.at[s]], zm_v.at[s], sm),
            ))

        for cu, cm in copies:
            cu.wait()
            cm.wait()

        def group_body(g, _):
            s = pl.ds(g * _LANES, _LANES)
            acc = zu_v[s] + zm_v[s]
            out_v[s] = 5.0 / (1.0 + jnp.exp(-acc))
            return 0

        lax.fori_loop(0, b_per_w // _LANES, group_body, 0)

        pltpu.sync_copy(out_v, out_hbm.at[pl.ds(base, b_per_w)])

    return sc_kernel


def kernel(user_ids, movie_ids, user_table, movie_table, fc_w, fc_b):
    B = user_ids.shape[0]
    D = user_table.shape[1]
    n_workers = _NUM_CORES * _NUM_SUBCORES
    b_per_w = B // n_workers
    n_chunks = b_per_w // _IDX_CHUNK

    zu = _build_matvec(D, user_table.shape[0], 0, False, 32768)(
        fc_w, fc_b, user_table.T)
    zm = _build_matvec(D, movie_table.shape[0], 1, True, 32768)(
        fc_w, fc_b, movie_table.T)

    sc = _build_sc_gather(B, b_per_w, n_chunks)
    out = sc(user_ids.astype(jnp.int32), movie_ids.astype(jnp.int32),
             zu, zm)
    return out.reshape(B, 1)

# --- scband reference (transcript-rebuilt; emitter-appended) ---
"""Pipeline reference for scband-rec-sys-model-36043365548435 (READ-ONLY COPY).

The authoritative reference and input builder live on the scoring server;
editing this copy changes nothing except your own understanding.
"""

import jax, jax.numpy as jnp
import numpy as np

N_USERS = 1000000
N_MOVIES = 100000
N_FACTORS = 64
BATCH = 16384

def setup_inputs(seed: int = 0) -> dict:
    key = jax.random.key(seed)
    k1, k2, k3, k4, k5, k6 = jax.random.split(key, 6)
    user_ids = jax.random.randint(k1, (BATCH,), 0, N_USERS, dtype=jnp.int64 if jax.config.jax_enable_x64 else jnp.int32)
    movie_ids = jax.random.randint(k2, (BATCH,), 0, N_MOVIES, dtype=jnp.int64 if jax.config.jax_enable_x64 else jnp.int32)
    user_table = jax.random.normal(k3, (N_USERS, N_FACTORS), dtype=jnp.float32)
    movie_table = jax.random.normal(k4, (N_MOVIES, N_FACTORS), dtype=jnp.float32)
    # nn.Linear(n_factors*2, 1): weight [1, 128], bias [1]
    bound = 1.0 / np.sqrt(N_FACTORS * 2)
    fc_w = jax.random.uniform(k5, (1, N_FACTORS * 2), minval=-bound, maxval=bound, dtype=jnp.float32)
    fc_b = jax.random.uniform(k6, (1,), minval=-bound, maxval=bound, dtype=jnp.float32)
    return {"user_ids": user_ids, "movie_ids": movie_ids, "user_table": user_table, "movie_table": movie_table, "fc_w": fc_w, "fc_b": fc_b}

def reference(user_ids, movie_ids, user_table, movie_table, fc_w, fc_b):
    user_vecs = jnp.take(user_table, user_ids, axis=0)
    movie_vecs = jnp.take(movie_table, movie_ids, axis=0)
    x = jnp.concatenate([user_vecs, movie_vecs], axis=1)
    x = x @ fc_w.T + fc_b
    return jax.nn.sigmoid(x) * 5.0

if __name__ == "__main__":
    import jax
    _d = setup_inputs()
    print(jax.jit(kernel)(*tuple(_d.values())))

</pallas_src>

<mosaic_0001>
#map = affine_map<(d0, d1) -> (0)>
module attributes {stable_mosaic.version = 14 : i64} {
  func.func @sc_kernel(%arg0: i32, %arg1: i32, %arg2: memref<16384xi32, #tpu.memory_space<hbm>>, %arg3: memref<16384xi32, #tpu.memory_space<hbm>>, %arg4: memref<1000000xf32, #tpu.memory_space<hbm>>, %arg5: memref<100000xf32, #tpu.memory_space<hbm>>, %arg6: memref<16384xf32, #tpu.memory_space<hbm>>, %arg7: memref<512xi32, #tpu.memory_space<vmem>>, %arg8: memref<512xi32, #tpu.memory_space<vmem>>, %arg9: memref<512xf32, #tpu.memory_space<vmem>>, %arg10: memref<512xf32, #tpu.memory_space<vmem>>, %arg11: memref<512xf32, #tpu.memory_space<vmem>>, %arg12: memref<!tpu.dma_semaphore, #tpu.memory_space<semaphore_mem>>, %arg13: memref<!tpu.dma_semaphore, #tpu.memory_space<semaphore_mem>>) attributes {dimension_semantics = [#tpu.dimension_semantics<core_parallel>, #tpu.dimension_semantics<subcore_parallel>], iteration_bounds = array<i64: 2, 16>, scalar_prefetch = 0 : i64, scratch_operands = 7 : i64, tpu.core_type = #tpu.core_type<sc_vector_subcore>, window_params = [{transform_indices = #map}, {transform_indices = #map}, {transform_indices = #map}, {transform_indices = #map}, {transform_indices = #map}]} {
    %mul3A = arith.constant 2 : i32
    %mul3A_0 = arith.muli %arg1, %mul3A : i32
    %add3A = arith.addi %mul3A_0, %arg0 : i32
    %mul3A_1 = arith.constant 512 : i32
    %mul3A_2 = arith.muli %add3A, %mul3A_1 : i32
    "tpu.region"() ({
      %run_scoped3A = tpu.sem_alloc : memref<!tpu.dma_semaphore, #tpu.memory_space<semaphore_mem>>
      %dma_start3A_103 = tpu.memref_slice %arg2[%mul3A_2] : memref<16384xi32, #tpu.memory_space<hbm>> -> memref<512xi32, #tpu.memory_space<hbm>>
      %dma_start3A_104 = tpu.memref_slice %arg2[%mul3A_2] : memref<16384xi32, #tpu.memory_space<hbm>> -> memref<512xi32, #tpu.memory_space<hbm>>
      tpu.enqueue_dma source(%dma_start3A_104 : memref<512xi32, #tpu.memory_space<hbm>>) target(%arg7 : memref<512xi32, #tpu.memory_space<vmem>>) target_semaphore(%run_scoped3A : memref<!tpu.dma_semaphore, #tpu.memory_space<semaphore_mem>>)
      %dma_wait3A_105 = tpu.memref_slice %arg2[%mul3A_2] : memref<16384xi32, #tpu.memory_space<hbm>> -> memref<512xi32, #tpu.memory_space<hbm>>
      %dma_wait3A_106 = tpu.memref_slice %arg2[%mul3A_2] : memref<16384xi32, #tpu.memory_space<hbm>> -> memref<512xi32, #tpu.memory_space<hbm>>
      tpu.wait_dma2 semaphore(%run_scoped3A : memref<!tpu.dma_semaphore, #tpu.memory_space<semaphore_mem>>) src(%dma_wait3A_106 : memref<512xi32, #tpu.memory_space<hbm>>) dst(%arg7 : memref<512xi32, #tpu.memory_space<vmem>>)
      tpu.yield
    }) : () -> ()
    "tpu.region"() ({
      %run_scoped3A = tpu.sem_alloc : memref<!tpu.dma_semaphore, #tpu.memory_space<semaphore_mem>>
      %dma_start3A_103 = tpu.memref_slice %arg3[%mul3A_2] : memref<16384xi32, #tpu.memory_space<hbm>> -> memref<512xi32, #tpu.memory_space<hbm>>
      %dma_start3A_104 = tpu.memref_slice %arg3[%mul3A_2] : memref<16384xi32, #tpu.memory_space<hbm>> -> memref<512xi32, #tpu.memory_space<hbm>>
      tpu.enqueue_dma source(%dma_start3A_104 : memref<512xi32, #tpu.memory_space<hbm>>) target(%arg8 : memref<512xi32, #tpu.memory_space<vmem>>) target_semaphore(%run_scoped3A : memref<!tpu.dma_semaphore, #tpu.memory_space<semaphore_mem>>)
      %dma_wait3A_105 = tpu.memref_slice %arg3[%mul3A_2] : memref<16384xi32, #tpu.memory_space<hbm>> -> memref<512xi32, #tpu.memory_space<hbm>>
      %dma_wait3A_106 = tpu.memref_slice %arg3[%mul3A_2] : memref<16384xi32, #tpu.memory_space<hbm>> -> memref<512xi32, #tpu.memory_space<hbm>>
      tpu.wait_dma2 semaphore(%run_scoped3A : memref<!tpu.dma_semaphore, #tpu.memory_space<semaphore_mem>>) src(%dma_wait3A_106 : memref<512xi32, #tpu.memory_space<hbm>>) dst(%arg8 : memref<512xi32, #tpu.memory_space<vmem>>)
      tpu.yield
    }) : () -> ()
    %dma_start3A = arith.constant 0 : i32
    %dma_start3A_3 = tpu.memref_slice %arg9[%dma_start3A] : memref<512xf32, #tpu.memory_space<vmem>> -> memref<128xf32, #tpu.memory_space<vmem>>
    %dma_start3A_4 = arith.constant 0 : i32
    %dma_start3A_5 = tpu.memref_slice %arg7[%dma_start3A_4] : memref<512xi32, #tpu.memory_space<vmem>> -> memref<128xi32, #tpu.memory_space<vmem>>
    %dma_start3A_6 = arith.constant 0 : i32
    %dma_start3A_7 = tpu.memref_slice %arg4[%dma_start3A_6] : memref<1000000xf32, #tpu.memory_space<hbm>> -> memref<1000000xf32, #tpu.memory_space<hbm>>
    tpu.enqueue_indirect_dma source(%dma_start3A_7 : memref<1000000xf32, #tpu.memory_space<hbm>>) target(%dma_start3A_3 : memref<128xf32, #tpu.memory_space<vmem>>) offsets(%dma_start3A_5 : memref<128xi32, #tpu.memory_space<vmem>>) semaphore(%arg12 : memref<!tpu.dma_semaphore, #tpu.memory_space<semaphore_mem>>)
    %dma_start3A_8 = arith.constant 0 : i32
    %dma_start3A_9 = tpu.memref_slice %arg10[%dma_start3A_8] : memref<512xf32, #tpu.memory_space<vmem>> -> memref<128xf32, #tpu.memory_space<vmem>>
    %dma_start3A_10 = arith.constant 0 : i32
    %dma_start3A_11 = tpu.memref_slice %arg8[%dma_start3A_10] : memref<512xi32, #tpu.memory_space<vmem>> -> memref<128xi32, #tpu.memory_space<vmem>>
    %dma_start3A_12 = arith.constant 0 : i32
    %dma_start3A_13 = tpu.memref_slice %arg5[%dma_start3A_12] : memref<100000xf32, #tpu.memory_space<hbm>> -> memref<100000xf32, #tpu.memory_space<hbm>>
    tpu.enqueue_indirect_dma source(%dma_start3A_13 : memref<100000xf32, #tpu.memory_space<hbm>>) target(%dma_start3A_9 : memref<128xf32, #tpu.memory_space<vmem>>) offsets(%dma_start3A_11 : memref<128xi32, #tpu.memory_space<vmem>>) semaphore(%arg13 : memref<!tpu.dma_semaphore, #tpu.memory_space<semaphore_mem>>)
    %dma_start3A_14 = arith.constant 128 : i32
    %dma_start3A_15 = tpu.memref_slice %arg9[%dma_start3A_14] : memref<512xf32, #tpu.memory_space<vmem>> -> memref<128xf32, #tpu.memory_space<vmem>>
    %dma_start3A_16 = arith.constant 128 : i32
    %dma_start3A_17 = tpu.memref_slice %arg7[%dma_start3A_16] : memref<512xi32, #tpu.memory_space<vmem>> -> memref<128xi32, #tpu.memory_space<vmem>>
    %dma_start3A_18 = arith.constant 0 : i32
    %dma_start3A_19 = tpu.memref_slice %arg4[%dma_start3A_18] : memref<1000000xf32, #tpu.memory_space<hbm>> -> memref<1000000xf32, #tpu.memory_space<hbm>>
    tpu.enqueue_indirect_dma source(%dma_start3A_19 : memref<1000000xf32, #tpu.memory_space<hbm>>) target(%dma_start3A_15 : memref<128xf32, #tpu.memory_space<vmem>>) offsets(%dma_start3A_17 : memref<128xi32, #tpu.memory_space<vmem>>) semaphore(%arg12 : memref<!tpu.dma_semaphore, #tpu.memory_space<semaphore_mem>>)
    %dma_start3A_20 = arith.constant 128 : i32
    %dma_start3A_21 = tpu.memref_slice %arg10[%dma_start3A_20] : memref<512xf32, #tpu.memory_space<vmem>> -> memref<128xf32, #tpu.memory_space<vmem>>
    %dma_start3A_22 = arith.constant 128 : i32
    %dma_start3A_23 = tpu.memref_slice %arg8[%dma_start3A_22] : memref<512xi32, #tpu.memory_space<vmem>> -> memref<128xi32, #tpu.memory_space<vmem>>
    %dma_start3A_24 = arith.constant 0 : i32
    %dma_start3A_25 = tpu.memref_slice %arg5[%dma_start3A_24] : memref<100000xf32, #tpu.memory_space<hbm>> -> memref<100000xf32, #tpu.memory_space<hbm>>
    tpu.enqueue_indirect_dma source(%dma_start3A_25 : memref<100000xf32, #tpu.memory_space<hbm>>) target(%dma_start3A_21 : memref<128xf32, #tpu.memory_space<vmem>>) offsets(%dma_start3A_23 : memref<128xi32, #tpu.memory_space<vmem>>) semaphore(%arg13 : memref<!tpu.dma_semaphore, #tpu.memory_space<semaphore_mem>>)
    %dma_start3A_26 = arith.constant 256 : i32
    %dma_start3A_27 = tpu.memref_slice %arg9[%dma_start3A_26] : memref<512xf32, #tpu.memory_space<vmem>> -> memref<128xf32, #tpu.memory_space<vmem>>
    %dma_start3A_28 = arith.constant 256 : i32
    %dma_start3A_29 = tpu.memref_slice %arg7[%dma_start3A_28] : memref<512xi32, #tpu.memory_space<vmem>> -> memref<128xi32, #tpu.memory_space<vmem>>
    %dma_start3A_30 = arith.constant 0 : i32
    %dma_start3A_31 = tpu.memref_slice %arg4[%dma_start3A_30] : memref<1000000xf32, #tpu.memory_space<hbm>> -> memref<1000000xf32, #tpu.memory_space<hbm>>
    tpu.enqueue_indirect_dma source(%dma_start3A_31 : memref<1000000xf32, #tpu.memory_space<hbm>>) target(%dma_start3A_27 : memref<128xf32, #tpu.memory_space<vmem>>) offsets(%dma_start3A_29 : memref<128xi32, #tpu.memory_space<vmem>>) semaphore(%arg12 : memref<!tpu.dma_semaphore, #tpu.memory_space<semaphore_mem>>)
    %dma_start3A_32 = arith.constant 256 : i32
    %dma_start3A_33 = tpu.memref_slice %arg10[%dma_start3A_32] : memref<512xf32, #tpu.memory_space<vmem>> -> memref<128xf32, #tpu.memory_space<vmem>>
    %dma_start3A_34 = arith.constant 256 : i32
    %dma_start3A_35 = tpu.memref_slice %arg8[%dma_start3A_34] : memref<512xi32, #tpu.memory_space<vmem>> -> memref<128xi32, #tpu.memory_space<vmem>>
    %dma_start3A_36 = arith.constant 0 : i32
    %dma_start3A_37 = tpu.memref_slice %arg5[%dma_start3A_36] : memref<100000xf32, #tpu.memory_space<hbm>> -> memref<100000xf32, #tpu.memory_space<hbm>>
    tpu.enqueue_indirect_dma source(%dma_start3A_37 : memref<100000xf32, #tpu.memory_space<hbm>>) target(%dma_start3A_33 : memref<128xf32, #tpu.memory_space<vmem>>) offsets(%dma_start3A_35 : memref<128xi32, #tpu.memory_space<vmem>>) semaphore(%arg13 : memref<!tpu.dma_semaphore, #tpu.memory_space<semaphore_mem>>)
    %dma_start3A_38 = arith.constant 384 : i32
    %dma_start3A_39 = tpu.memref_slice %arg9[%dma_start3A_38] : memref<512xf32, #tpu.memory_space<vmem>> -> memref<128xf32, #tpu.memory_space<vmem>>
    %dma_start3A_40 = arith.constant 384 : i32
    %dma_start3A_41 = tpu.memref_slice %arg7[%dma_start3A_40] : memref<512xi32, #tpu.memory_space<vmem>> -> memref<128xi32, #tpu.memory_space<vmem>>
    %dma_start3A_42 = arith.constant 0 : i32
    %dma_start3A_43 = tpu.memref_slice %arg4[%dma_start3A_42] : memref<1000000xf32, #tpu.memory_space<hbm>> -> memref<1000000xf32, #tpu.memory_space<hbm>>
    tpu.enqueue_indirect_dma source(%dma_start3A_43 : memref<1000000xf32, #tpu.memory_space<hbm>>) target(%dma_start3A_39 : memref<128xf32, #tpu.memory_space<vmem>>) offsets(%dma_start3A_41 : memref<128xi32, #tpu.memory_space<vmem>>) semaphore(%arg12 : memref<!tpu.dma_semaphore, #tpu.memory_space<semaphore_mem>>)
    %dma_start3A_44 = arith.constant 384 : i32
    %dma_start3A_45 = tpu.memref_slice %arg10[%dma_start3A_44] : memref<512xf32, #tpu.memory_space<vmem>> -> memref<128xf32, #tpu.memory_space<vmem>>
    %dma_start3A_46 = arith.constant 384 : i32
    %dma_start3A_47 = tpu.memref_slice %arg8[%dma_start3A_46] : memref<512xi32, #tpu.memory_space<vmem>> -> memref<128xi32, #tpu.memory_space<vmem>>
    %dma_start3A_48 = arith.constant 0 : i32
    %dma_start3A_49 = tpu.memref_slice %arg5[%dma_start3A_48] : memref<100000xf32, #tpu.memory_space<hbm>> -> memref<100000xf32, #tpu.memory_space<hbm>>
    tpu.enqueue_indirect_dma source(%dma_start3A_49 : memref<100000xf32, #tpu.memory_space<hbm>>) target(%dma_start3A_45 : memref<128xf32, #tpu.memory_space<vmem>>) offsets(%dma_start3A_47 : memref<128xi32, #tpu.memory_space<vmem>>) semaphore(%arg13 : memref<!tpu.dma_semaphore, #tpu.memory_space<semaphore_mem>>)
    %dma_wait3A = arith.constant 0 : i32
    %dma_wait3A_50 = tpu.memref_slice %arg9[%dma_wait3A] : memref<512xf32, #tpu.memory_space<vmem>> -> memref<128xf32, #tpu.memory_space<vmem>>
    %dma_wait3A_51 = arith.constant 0 : i32
    %dma_wait3A_52 = tpu.memref_slice %arg7[%dma_wait3A_51] : memref<512xi32, #tpu.memory_space<vmem>> -> memref<128xi32, #tpu.memory_space<vmem>>
    %dma_wait3A_53 = arith.constant 0 : i32
    %dma_wait3A_54 = tpu.memref_slice %arg4[%dma_wait3A_53] : memref<1000000xf32, #tpu.memory_space<hbm>> -> memref<1000000xf32, #tpu.memory_space<hbm>>
    tpu.wait_indirect_dma semaphore(%arg12 : memref<!tpu.dma_semaphore, #tpu.memory_space<semaphore_mem>>) src(%dma_wait3A_54 : memref<1000000xf32, #tpu.memory_space<hbm>>) dst(%dma_wait3A_50 : memref<128xf32, #tpu.memory_space<vmem>>)
    %dma_wait3A_55 = arith.constant 0 : i32
    %dma_wait3A_56 = tpu.memref_slice %arg10[%dma_wait3A_55] : memref<512xf32, #tpu.memory_space<vmem>> -> memref<128xf32, #tpu.memory_space<vmem>>
    %dma_wait3A_57 = arith.constant 0 : i32
    %dma_wait3A_58 = tpu.memref_slice %arg8[%dma_wait3A_57] : memref<512xi32, #tpu.memory_space<vmem>> -> memref<128xi32, #tpu.memory_space<vmem>>
    %dma_wait3A_59 = arith.constant 0 : i32
    %dma_wait3A_60 = tpu.memref_slice %arg5[%dma_wait3A_59] : memref<100000xf32, #tpu.memory_space<hbm>> -> memref<100000xf32, #tpu.memory_space<hbm>>
    tpu.wait_indirect_dma semaphore(%arg13 : memref<!tpu.dma_semaphore, #tpu.memory_space<semaphore_mem>>) src(%dma_wait3A_60 : memref<100000xf32, #tpu.memory_space<hbm>>) dst(%dma_wait3A_56 : memref<128xf32, #tpu.memory_space<vmem>>)
    %dma_wait3A_61 = arith.constant 128 : i32
    %dma_wait3A_62 = tpu.memref_slice %arg9[%dma_wait3A_61] : memref<512xf32, #tpu.memory_space<vmem>> -> memref<128xf32, #tpu.memory_space<vmem>>
    %dma_wait3A_63 = arith.constant 128 : i32
    %dma_wait3A_64 = tpu.memref_slice %arg7[%dma_wait3A_63] : memref<512xi32, #tpu.memory_space<vmem>> -> memref<128xi32, #tpu.memory_space<vmem>>
    %dma_wait3A_65 = arith.constant 0 : i32
    %dma_wait3A_66 = tpu.memref_slice %arg4[%dma_wait3A_65] : memref<1000000xf32, #tpu.memory_space<hbm>> -> memref<1000000xf32, #tpu.memory_space<hbm>>
    tpu.wait_indirect_dma semaphore(%arg12 : memref<!tpu.dma_semaphore, #tpu.memory_space<semaphore_mem>>) src(%dma_wait3A_66 : memref<1000000xf32, #tpu.memory_space<hbm>>) dst(%dma_wait3A_62 : memref<128xf32, #tpu.memory_space<vmem>>)
    %dma_wait3A_67 = arith.constant 128 : i32
    %dma_wait3A_68 = tpu.memref_slice %arg10[%dma_wait3A_67] : memref<512xf32, #tpu.memory_space<vmem>> -> memref<128xf32, #tpu.memory_space<vmem>>
    %dma_wait3A_69 = arith.constant 128 : i32
    %dma_wait3A_70 = tpu.memref_slice %arg8[%dma_wait3A_69] : memref<512xi32, #tpu.memory_space<vmem>> -> memref<128xi32, #tpu.memory_space<vmem>>
    %dma_wait3A_71 = arith.constant 0 : i32
    %dma_wait3A_72 = tpu.memref_slice %arg5[%dma_wait3A_71] : memref<100000xf32, #tpu.memory_space<hbm>> -> memref<100000xf32, #tpu.memory_space<hbm>>
    tpu.wait_indirect_dma semaphore(%arg13 : memref<!tpu.dma_semaphore, #tpu.memory_space<semaphore_mem>>) src(%dma_wait3A_72 : memref<100000xf32, #tpu.memory_space<hbm>>) dst(%dma_wait3A_68 : memref<128xf32, #tpu.memory_space<vmem>>)
    %dma_wait3A_73 = arith.constant 256 : i32
    %dma_wait3A_74 = tpu.memref_slice %arg9[%dma_wait3A_73] : memref<512xf32, #tpu.memory_space<vmem>> -> memref<128xf32, #tpu.memory_space<vmem>>
    %dma_wait3A_75 = arith.constant 256 : i32
    %dma_wait3A_76 = tpu.memref_slice %arg7[%dma_wait3A_75] : memref<512xi32, #tpu.memory_space<vmem>> -> memref<128xi32, #tpu.memory_space<vmem>>
    %dma_wait3A_77 = arith.constant 0 : i32
    %dma_wait3A_78 = tpu.memref_slice %arg4[%dma_wait3A_77] : memref<1000000xf32, #tpu.memory_space<hbm>> -> memref<1000000xf32, #tpu.memory_space<hbm>>
    tpu.wait_indirect_dma semaphore(%arg12 : memref<!tpu.dma_semaphore, #tpu.memory_space<semaphore_mem>>) src(%dma_wait3A_78 : memref<1000000xf32, #tpu.memory_space<hbm>>) dst(%dma_wait3A_74 : memref<128xf32, #tpu.memory_space<vmem>>)
    %dma_wait3A_79 = arith.constant 256 : i32
    %dma_wait3A_80 = tpu.memref_slice %arg10[%dma_wait3A_79] : memref<512xf32, #tpu.memory_space<vmem>> -> memref<128xf32, #tpu.memory_space<vmem>>
    %dma_wait3A_81 = arith.constant 256 : i32
    %dma_wait3A_82 = tpu.memref_slice %arg8[%dma_wait3A_81] : memref<512xi32, #tpu.memory_space<vmem>> -> memref<128xi32, #tpu.memory_space<vmem>>
    %dma_wait3A_83 = arith.constant 0 : i32
    %dma_wait3A_84 = tpu.memref_slice %arg5[%dma_wait3A_83] : memref<100000xf32, #tpu.memory_space<hbm>> -> memref<100000xf32, #tpu.memory_space<hbm>>
    tpu.wait_indirect_dma semaphore(%arg13 : memref<!tpu.dma_semaphore, #tpu.memory_space<semaphore_mem>>) src(%dma_wait3A_84 : memref<100000xf32, #tpu.memory_space<hbm>>) dst(%dma_wait3A_80 : memref<128xf32, #tpu.memory_space<vmem>>)
    %dma_wait3A_85 = arith.constant 384 : i32
    %dma_wait3A_86 = tpu.memref_slice %arg9[%dma_wait3A_85] : memref<512xf32, #tpu.memory_space<vmem>> -> memref<128xf32, #tpu.memory_space<vmem>>
    %dma_wait3A_87 = arith.constant 384 : i32
    %dma_wait3A_88 = tpu.memref_slice %arg7[%dma_wait3A_87] : memref<512xi32, #tpu.memory_space<vmem>> -> memref<128xi32, #tpu.memory_space<vmem>>
    %dma_wait3A_89 = arith.constant 0 : i32
    %dma_wait3A_90 = tpu.memref_slice %arg4[%dma_wait3A_89] : memref<1000000xf32, #tpu.memory_space<hbm>> -> memref<1000000xf32, #tpu.memory_space<hbm>>
    tpu.wait_indirect_dma semaphore(%arg12 : memref<!tpu.dma_semaphore, #tpu.memory_space<semaphore_mem>>) src(%dma_wait3A_90 : memref<1000000xf32, #tpu.memory_space<hbm>>) dst(%dma_wait3A_86 : memref<128xf32, #tpu.memory_space<vmem>>)
    %dma_wait3A_91 = arith.constant 384 : i32
    %dma_wait3A_92 = tpu.memref_slice %arg10[%dma_wait3A_91] : memref<512xf32, #tpu.memory_space<vmem>> -> memref<128xf32, #tpu.memory_space<vmem>>
    %dma_wait3A_93 = arith.constant 384 : i32
    %dma_wait3A_94 = tpu.memref_slice %arg8[%dma_wait3A_93] : memref<512xi32, #tpu.memory_space<vmem>> -> memref<128xi32, #tpu.memory_space<vmem>>
    %dma_wait3A_95 = arith.constant 0 : i32
    %dma_wait3A_96 = tpu.memref_slice %arg5[%dma_wait3A_95] : memref<100000xf32, #tpu.memory_space<hbm>> -> memref<100000xf32, #tpu.memory_space<hbm>>
    tpu.wait_indirect_dma semaphore(%arg13 : memref<!tpu.dma_semaphore, #tpu.memory_space<semaphore_mem>>) src(%dma_wait3A_96 : memref<100000xf32, #tpu.memory_space<hbm>>) dst(%dma_wait3A_92 : memref<128xf32, #tpu.memory_space<vmem>>)
    %scan3A = arith.constant 0 : i32
    %scan3A_97 = arith.constant 0 : i32
    %scan3A_98 = arith.constant 32 : i32
    %scan3A_99 = arith.addi %scan3A_97, %scan3A_98 : i32
    %scan3A_100 = arith.constant 1 : i32
    %scan3A_101 = scf.for %scan3A_103 = %scan3A_97 to %scan3A_99 step %scan3A_100 iter_args(%scan3A_104 = %scan3A) -> (i32)  : i32 {
      %mul3A_105 = arith.constant 16 : i32
      %mul3A_106 = arith.muli %scan3A_103, %mul3A_105 : i32
      %get3A = arith.index_cast %mul3A_106 : i32 to index
      %get3A_107 = tpu.vector_load %arg9[%get3A] {strides = array<i32>} : memref<512xf32, #tpu.memory_space<vmem>>, vector<16xf32>,
      %get3A_108 = arith.index_cast %mul3A_106 : i32 to index
      %get3A_109 = tpu.vector_load %arg10[%get3A_108] {strides = array<i32>} : memref<512xf32, #tpu.memory_space<vmem>>, vector<16xf32>,
      %add3A_110 = arith.addf %get3A_107, %get3A_109 : vector<16xf32>
      %neg3A = arith.constant 0.000000e+00 : f32
      %neg3A_111 = vector.broadcast %neg3A : f32 to vector<16xf32>
      %neg3A_112 = arith.subf %neg3A_111, %add3A_110 : vector<16xf32>
      %exp3A = math.exp %neg3A_112 : vector<16xf32>
      %add3A_113 = arith.constant 1.000000e+00 : f32
      %add3A_114 = vector.broadcast %add3A_113 : f32 to vector<16xf32>
      %add3A_115 = arith.addf %add3A_114, %exp3A : vector<16xf32>
      %div3A = arith.constant 5.000000e+00 : f32
      %div3A_116 = vector.broadcast %div3A : f32 to vector<16xf32>
      %div3A_117 = arith.divf %div3A_116, %add3A_115 : vector<16xf32>
      %swap3A = arith.index_cast %mul3A_106 : i32 to index
      %swap3A_118 = tpu.vector_load %arg11[%swap3A] {strides = array<i32>} : memref<512xf32, #tpu.memory_space<vmem>>, vector<16xf32>,
      tpu.vector_store %arg11[%swap3A], %div3A_117 {strides = array<i32>} : memref<512xf32, #tpu.memory_space<vmem>>, vector<16xf32>,
      %scan3A_119 = arith.constant 0 : i32
      scf.yield %scan3A_119 : i32
    }
    %scan3A_102 = arith.constant 32 : i32
    "tpu.region"() ({
      %run_scoped3A = tpu.sem_alloc : memref<!tpu.dma_semaphore, #tpu.memory_space<semaphore_mem>>
      %dma_start3A_103 = tpu.memref_slice %arg6[%mul3A_2] : memref<16384xf32, #tpu.memory_space<hbm>> -> memref<512xf32, #tpu.memory_space<hbm>>
      %dma_start3A_104 = tpu.memref_slice %arg6[%mul3A_2] : memref<16384xf32, #tpu.memory_space<hbm>> -> memref<512xf32, #tpu.memory_space<hbm>>
      tpu.enqueue_dma source(%arg11 : memref<512xf32, #tpu.memory_space<vmem>>) target(%dma_start3A_104 : memref<512xf32, #tpu.memory_space<hbm>>) target_semaphore(%run_scoped3A : memref<!tpu.dma_semaphore, #tpu.memory_space<semaphore_mem>>)
      %dma_wait3A_105 = tpu.memref_slice %arg6[%mul3A_2] : memref<16384xf32, #tpu.memory_space<hbm>> -> memref<512xf32, #tpu.memory_space<hbm>>
      %dma_wait3A_106 = tpu.memref_slice %arg6[%mul3A_2] : memref<16384xf32, #tpu.memory_space<hbm>> -> memref<512xf32, #tpu.memory_space<hbm>>
      tpu.wait_dma2 semaphore(%run_scoped3A : memref<!tpu.dma_semaphore, #tpu.memory_space<semaphore_mem>>) src(%arg11 : memref<512xf32, #tpu.memory_space<vmem>>) dst(%dma_wait3A_106 : memref<512xf32, #tpu.memory_space<hbm>>)
      tpu.yield
    }) : () -> ()
    return
  }
}

module attributes {stable_mosaic.version = 14 : i64} {
  func.func @body(%arg0: i32, %arg1: memref<1x128xf32, #tpu.memory_space<vmem>>, %arg2: memref<1xf32, #tpu.memory_space<smem>>, %arg3: memref<64x32768xf32, #tpu.memory_space<vmem>>, %arg4: memref<32768xf32, #tpu.memory_space<vmem>>) attributes {dimension_semantics = [#tpu.dimension_semantics<arbitrary>], iteration_bounds = array<i64: 4>, scalar_prefetch = 0 : i64, scratch_operands = 0 : i64, tpu.core_type = #tpu.core_type<tc>, window_params = [{pipeline_mode = #tpu.pipeline_mode<synchronous>, transform_indices = @transform_0, window_bounds = array<i64: 1, 128>}, {transform_indices = @transform_1, window_bounds = array<i64: 1>}, {transform_indices = @transform_2, window_bounds = array<i64: 64, 32768>}, {transform_indices = @transform_3, window_bounds = array<i64: 32768>}]} {
    %get3A = arith.constant 0 : index
    %get3A_0 = arith.constant 64 : index
    %get3A_1 = vector.load %arg1[%get3A, %get3A_0] : memref<1x128xf32, #tpu.memory_space<vmem>>, vector<1x64xf32>
    %get3A_2 = vector.shape_cast %get3A_1 : vector<1x64xf32> to vector<64xf32>
    %get3A_3 = arith.constant 0 : index
    %get3A_4 = arith.constant 0 : index
    %get3A_5 = vector.load %arg3[%get3A_3, %get3A_4] : memref<64x32768xf32, #tpu.memory_space<vmem>>, vector<64x32768xf32>
    %dot_general3A = arith.constant dense<0.000000e+00> : vector<32768xf32>
    %dot_general3A_6 = tpu.matmul %get3A_2, %get3A_5, %dot_general3A {dimension_numbers = #tpu.dot_dimension_numbers<[0], [0], [], [1], [1, 1], [], []>, transpose_lhs_hint = false} : vector<64xf32>, vector<64x32768xf32>, vector<32768xf32> -> vector<32768xf32>
    %get3A_7 = arith.constant 0 : index
    %get3A_8 = memref.load %arg2[%get3A_7] : memref<1xf32, #tpu.memory_space<smem>>
    %add3A = vector.broadcast %get3A_8 : f32 to vector<32768xf32>
    %add3A_9 = arith.addf %dot_general3A_6, %add3A : vector<32768xf32>
    %swap3A = arith.constant 0 : index
    %swap3A_10 = vector.load %arg4[%swap3A] : memref<32768xf32, #tpu.memory_space<vmem>>, vector<32768xf32>
    tpu.vector_store %arg4[%swap3A], %add3A_9 {strides = array<i32>} : memref<32768xf32, #tpu.memory_space<vmem>>, vector<32768xf32>,
    return
  }
  func.func @transform_0(%arg0: i32) -> (i32, i32) {
    %c0_i32 = arith.constant 0 : i32
    %c0_i32_0 = arith.constant 0 : i32
    %c0_i32_1 = arith.constant 0 : i32
    return %c0_i32, %c0_i32_0 : i32, i32
  }
  func.func @transform_1(%arg0: i32) -> i32 {
    %c0_i32 = arith.constant 0 : i32
    %c0_i32_0 = arith.constant 0 : i32
    return %c0_i32 : i32
  }
  func.func @transform_2(%arg0: i32) -> (i32, i32) {
    %c0_i32 = arith.constant 0 : i32
    %c0_i32_0 = arith.constant 0 : i32
    return %c0_i32, %arg0 : i32, i32
  }
  func.func @transform_3(%arg0: i32) -> i32 {
    %c0_i32 = arith.constant 0 : i32
    return %arg0 : i32
  }
}

module attributes {stable_mosaic.version = 14 : i64} {
  func.func @body(%arg0: i32, %arg1: memref<1x128xf32, #tpu.memory_space<vmem>>, %arg2: memref<1xf32, #tpu.memory_space<smem>>, %arg3: memref<64x32768xf32, #tpu.memory_space<vmem>>, %arg4: memref<32768xf32, #tpu.memory_space<vmem>>) attributes {dimension_semantics = [#tpu.dimension_semantics<arbitrary>], iteration_bounds = array<i64: 31>, scalar_prefetch = 0 : i64, scratch_operands = 0 : i64, tpu.core_type = #tpu.core_type<tc>, window_params = [{pipeline_mode = #tpu.pipeline_mode<synchronous>, transform_indices = @transform_0, window_bounds = array<i64: 1, 128>}, {transform_indices = @transform_1, window_bounds = array<i64: 1>}, {transform_indices = @transform_2, window_bounds = array<i64: 64, 32768>}, {transform_indices = @transform_3, window_bounds = array<i64: 32768>}]} {
    %get3A = arith.constant 0 : index
    %get3A_0 = arith.constant 0 : index
    %get3A_1 = vector.load %arg1[%get3A, %get3A_0] : memref<1x128xf32, #tpu.memory_space<vmem>>, vector<1x64xf32>
    %get3A_2 = vector.shape_cast %get3A_1 : vector<1x64xf32> to vector<64xf32>
    %get3A_3 = arith.constant 0 : index
    %get3A_4 = arith.constant 0 : index
    %get3A_5 = vector.load %arg3[%get3A_3, %get3A_4] : memref<64x32768xf32, #tpu.memory_space<vmem>>, vector<64x32768xf32>
    %dot_general3A = arith.constant dense<0.000000e+00> : vector<32768xf32>
    %dot_general3A_6 = tpu.matmul %get3A_2, %get3A_5, %dot_general3A {dimension_numbers = #tpu.dot_dimension_numbers<[0], [0], [], [1], [1, 1], [], []>, transpose_lhs_hint = false} : vector<64xf32>, vector<64x32768xf32>, vector<32768xf32> -> vector<32768xf32>
    %swap3A = arith.constant 0 : index
    %swap3A_7 = vector.load %arg4[%swap3A] : memref<32768xf32, #tpu.memory_space<vmem>>, vector<32768xf32>
    tpu.vector_store %arg4[%swap3A], %dot_general3A_6 {strides = array<i32>} : memref<32768xf32, #tpu.memory_space<vmem>>, vector<32768xf32>,
    return
  }
  func.func @transform_0(%arg0: i32) -> (i32, i32) {
    %c0_i32 = arith.constant 0 : i32
    %c0_i32_0 = arith.constant 0 : i32
    %c0_i32_1 = arith.constant 0 : i32
    return %c0_i32, %c0_i32_0 : i32, i32
  }
  func.func @transform_1(%arg0: i32) -> i32 {
    %c0_i32 = arith.constant 0 : i32
    %c0_i32_0 = arith.constant 0 : i32
    return %c0_i32 : i32
  }
  func.func @transform_2(%arg0: i32) -> (i32, i32) {
    %c0_i32 = arith.constant 0 : i32
    %c0_i32_0 = arith.constant 0 : i32
    return %c0_i32, %arg0 : i32, i32
  }
  func.func @transform_3(%arg0: i32) -> i32 {
    %c0_i32 = arith.constant 0 : i32
    return %arg0 : i32
  }
}

</mosaic_0001>

<sc_bundles>
// kernel: kernel.5.cloned.1.call-start
scs
__scs_entry_jumppad:
0x0: {  	(pc) =	sbr.rel $0x88, $3  }
0x1: {  	(tag) =	ssettag $0x0;
	lr =	simm.s32 $0x1  }
0x2: {  	[smem:$0x3F9B] =	sst lr;
	_ =	strace $0xD0000000  }
0x3: {  	_ = 	snop  }
0x4: {  	_ = 	snop  }
0x5: {  	_ = 	snop  }
0x6: {  	_ = 	snop  }
0x7: {  	_ = 	snop  }
__scs_overlays_trampoline_lowered:
0x8: {  	[smem:$0x3FAA] =	sst s0  }
0x9: {  	[smem:$0x3FAB] =	sst s1  }
0xa: {  	[smem:$0x3FAC] =	sst s2  }
0xb: {  	[smem:$0x3FAD] =	sst s3  }
0xc: {  	[smem:$0x3FAE] =	sst s4  }
0xd: {  	[smem:$0x3FAF] =	sst s5  }
0xe: {  	[smem:$0x3FB0] =	sst s6  }
0xf: {  	[smem:$0x3FB1] =	sst s7  }
0x10: {  	[smem:$0x3FB2] =	sst s8  }
0x11: {  	[smem:$0x3FB3] =	sst s9;
	s0 =	simm.s32 @!p0 $0x0  }
0x12: {  	s1 =	sld [smem:$0x3F99];
	s0 =	simm.s32 @p0 $0x1  }
0x13: {  	[smem:$0x3FB4] =	sst s0;
	s0 =	simm.s32 @!p1 $0x0  }
0x14: {  	s2 =	sld [smem:$0x3F98];
	s0 =	simm.s32 @p1 $0x1  }
0x15: {  	[smem:$0x3FB5] =	sst s0;
	s0 =	simm.s32 @!p2 $0x0  }
0x16: {  	s3 =	sld [smem:$0x3FDB];
	s0 =	simm.s32 @p2 $0x1  }
0x17: {  	s4 =	simm.s32 $0x1BF5;
	[smem:$0x3FB7] =	sst s0  }
0x18: {  	s0 =	sld [smem:$0x3F9A];
	_ =	swait.ge [sflag:s4], $0x0  }
0x19: {  	s7 =	sld [smem:$0x3F9B]  }
0x1a: {  	s8 =	sadd.s32 $0xFFFFE003, lr  }
0x1b: {  	s9 =	sadd.s32 $0xFFFFFEF7, lr;
	s5 =	simm.s32 $0xFFFFFFFF;
	p2 =	slt.u32 s8, $0xFFFFF086  }
0x1c: {  	p1 =	slt.u32 s9, $0xF7A;
	s5 =	simm.s32 @!p2 $0x0  }
0x1d: {  	s5 =	simm.s32 @p1 $0x1;
	p0 =	seq.s32 s7, s2  }
0x1e: {  	s7 =	smul.u32 @!p0 $0xF7A, s2;
	p2 =	seq.s32 @!p0 s5, $0x0  }
0x1f: {  	s9 =	smul.u32 $0xF7A, s1;
	s8 =	simm.s32 @!p0 $0x1BF5;
	p2 =	por !p2, p0  }
0x20: {  	[sflag:s8] =	ssyncset.s32 @!p0 $0xFFFFF086;
	s6 =	sadd.s32 @!p0 s3, s7;
	s7 =	simm.s32 @!p0 $0x108  }
0x21: {  	s3 =	sadd.s32 s3, s9;
	s6 =	sadd.s32 @!p0 $0x88, s6;
	s7 =	simm.s32 @p2 $0x1082  }
0x22: {  	[simem:s7], [sflag:s8] =	dma.local @!p0 [hbm:s6], $0xF7A  }
0x23: {  	s9 =	sor.u32 $0xD0000000, s2;
	s6 =	simm.s32 $0x108;
	_ =	swait.ge @!p0 [sflag:s8], $0x0  }
0x24: {  	s3 =	sadd.s32 $0x88, s3;
	s6 =	simm.s32 @!p1 $0x1082;
	[sflag:s4] =	ssyncset.s32 $0xFFFFF086  }
0x25: {  	[simem:s6], [sflag:s4] =	dma.local [hbm:s3], $0xF7A  }
0x26: {  	[smem:$0x3F9B] =	sst s1;
	(tag) =	ssettag s2;
	_ =	strace s9  }
0x27: {  	s1 =	sld [smem:$0x3FAB]  }
0x28: {  	s2 =	sld [smem:$0x3FAC]  }
0x29: {  	s4 =	sld [smem:$0x3FAE]  }
0x2a: {  	p0 =	seq.s32 s5, $0x0;
	s5 =	sld [smem:$0x3FAF]  }
0x2b: {  	s6 =	sld [smem:$0x3FB0]  }
0x2c: {  	s7 =	sld [smem:$0x3FB1]  }
0x2d: {  	s3 =	simm.s32 $0x108;
	s8 =	sld [smem:$0x3FB2]  }
0x2e: {  	s3 =	simm.s32 @!p0 $0x1082;
	s9 =	sld [smem:$0x3FB3]  }
0x2f: {  	lr =	sadd.s32 s0, s3;
	s0 =	sld [smem:$0x3FAA]  }
0x30: {  	s3 =	sld [smem:$0x3FAD]  }
0x31: {  	[smem:$0x3FB6] =	sst s10  }
0x32: {  	s10 =	sld [smem:$0x3FB4];
	_ =	sdelay $0x3  }
0x33: {  	p0 =	seq.s32 s10, $0x1;
	s10 =	sld [smem:$0x3FB6];
	_ =	sdelay $0x3  }
0x34: {  	[smem:$0x3FB6] =	sst s10  }
0x35: {  	s10 =	sld [smem:$0x3FB5];
	_ =	sdelay $0x3  }
0x36: {  	p1 =	seq.s32 s10, $0x1;
	s10 =	sld [smem:$0x3FB6];
	_ =	sdelay $0x3  }
0x37: {  	[smem:$0x3FB6] =	sst s10  }
0x38: {  	s10 =	sld [smem:$0x3FB7]  }
0x39: {  	_ = 	snop;
	(pc) =	sbr.ind lr, $3  }
0x3a: {  	_ = 	snop  }
0x3b: {  	_ = 	snop  }
0x3c: {  	p2 =	seq.s32 s10, $0x1;
	s10 =	sld [smem:$0x3FB6]  }
0x3d: {  	_ =	shalt  }
0x3e: {  	_ =	shalt  }
0x3f: {  	_ =	shalt  }
0x40: {  	_ =	shalt  }
0x41: {  	_ =	shalt  }
0x42: {  	_ =	shalt  }
0x43: {  	_ =	shalt  }
0x44: {  	_ =	shalt  }
0x45: {  	_ =	shalt  }
0x46: {  	_ =	shalt  }
0x47: {  	_ =	shalt  }
0x48: {  	_ =	shalt  }
0x49: {  	_ =	shalt  }
0x4a: {  	_ =	shalt  }
0x4b: {  	_ =	shalt  }
0x4c: {  	_ =	shalt  }
0x4d: {  	_ =	shalt  }
0x4e: {  	_ =	shalt  }
0x4f: {  	_ =	shalt  }
0x50: {  	_ =	shalt  }
0x51: {  	_ =	shalt  }
0x52: {  	_ =	shalt  }
0x53: {  	_ =	shalt  }
0x54: {  	_ =	shalt  }
0x55: {  	_ =	shalt  }
0x56: {  	_ =	shalt  }
0x57: {  	_ =	shalt  }
0x58: {  	_ =	shalt  }
0x59: {  	_ =	shalt  }
0x5a: {  	_ =	shalt  }
0x5b: {  	_ =	shalt  }
0x5c: {  	_ =	shalt  }
0x5d: {  	_ =	shalt  }
0x5e: {  	_ =	shalt  }
0x5f: {  	_ =	shalt  }
0x60: {  	_ =	shalt  }
0x61: {  	_ =	shalt  }
0x62: {  	_ =	shalt  }
0x63: {  	_ =	shalt  }
0x64: {  	_ =	shalt  }
0x65: {  	_ =	shalt  }
0x66: {  	_ =	shalt  }
0x67: {  	_ =	shalt  }
0x68: {  	_ =	shalt  }
0x69: {  	_ =	shalt  }
0x6a: {  	_ =	shalt  }
0x6b: {  	_ =	shalt  }
0x6c: {  	_ =	shalt  }
0x6d: {  	_ =	shalt  }
0x6e: {  	_ =	shalt  }
0x6f: {  	_ =	shalt  }
0x70: {  	_ =	shalt  }
0x71: {  	_ =	shalt  }
0x72: {  	_ =	shalt  }
0x73: {  	_ =	shalt  }
0x74: {  	_ =	shalt  }
0x75: {  	_ =	shalt  }
0x76: {  	_ =	shalt  }
0x77: {  	_ =	shalt  }
0x78: {  	_ =	shalt  }
0x79: {  	_ =	shalt  }
0x7a: {  	_ =	shalt  }
0x7b: {  	_ =	shalt  }
0x7c: {  	_ =	shalt  }
0x7d: {  	_ =	shalt  }
0x7e: {  	_ =	shalt  }
0x7f: {  	_ =	shalt  }
0x80: {  	_ =	shalt  }
0x81: {  	_ =	shalt  }
0x82: {  	_ =	shalt  }
0x83: {  	_ =	shalt  }
0x84: {  	_ =	shalt  }
0x85: {  	_ =	shalt  }
0x86: {  	_ =	shalt  }
0x87: {  	_ =	shalt  }
.Lfunc_end0:
.L_simem_size_0:
called_computation_lowered:
.L_overlay_start_0:
0x88: {  	s2 =	sld [smem:$0x3FD9]  }
0x89: {  	s3 =	sld [smem:$0x3FFE];
	_ =	sdelay $0x1  }
0x8a: {  	s1 =	srdreg.scid  }
0x8b: {  	s0 =	sand.u32 $0x1, s1  }
0x8c: {  	s17 =	sshll.u32 s0, $0xA;
	s2 =	sadd.s32 s3, s2  }
0x8d: {  	s2 =	sadd.s32 s2, s17  }
0x8e: {  	[smem:$0x3FC2] =	sst s2  }
0x8f: {  	_ = 	snop  }
0x90: {  	s2 =	sld [smem:$0x3FC9]  }
0x91: {  	s18 =	sld [smem:$0x3FC8]  }
0x92: {  	s4 =	sld [smem:$0x3FD0];
	(tm) =	ssettm $0x1  }
0x93: {  	s5 =	sld [smem:$0x3FFB];
	_ =	sdelay $0x3  }
0x94: {  	_ =	strace s5  }
0x95: {  	s5 =	sld [smem:$0x3FFC];
	_ =	sdelay $0x3  }
0x96: {  	_ =	strace s5  }
0x97: {  	s5 =	sld [smem:$0x3FFD];
	_ =	sdelay $0x3  }
0x98: {  	_ =	strace s5  }
0x99: {  	_ =	strace $0x8FFFFFFF  }
0x9a: {  	s19 =	sld [smem:$0x3FDB];
	_ =	sdelay $0x1  }
0x9b: {  	s6 =	simm.s32 $_scs_section_size  }
0x9c: {  	s7 =	simm.s32 $_size__tile_overlayer_lowered;
	s8 =	simm.s32 $_tile_overlayer_lowered  }
0x9d: {  	s22 =	simm.s32 $0x1BFF;
	s21 =	sshll.u32 s8, $0x1;
	s5 =	sadd.s32 s6, s19  }
0x9e: {  	s9 =	simm.s32 $0x0;
	s20 =	sshll.u32 s7, $0x1;
	s7 =	sadd.s32 s21, s5  }
0x9f: {  	[timem:s9], [sflag:s22] =	dma.local [hbm:s7], s20  }
0xa0: {  	_ =	swait.ge [sflag:s22], s20  }
0xa1: {  	s6 =	ssub.s32 $0x0, s20;
	[sflag:s22] =	ssyncset.done $0x0  }
0xa2: {  	[sflag:s22] =	ssyncadd.s32 s6;
	_ =	sdelay $0x1  }
0xa3: {  	s23 =	simm.s32 $0x1B8B  }
0xa4: {  	_ =	swait.ge [sflag:s23], $0x1  }
0xa5: {  	[sflag:s23] =	ssyncset.done $0x0  }
0xa6: {  	s25 =	simm.s32 $0x1B8E;
	s24 =	sld [smem:$0x3FFE];
	[sflag:s23] =	ssyncadd.s32 $0xFFFFFFFF  }
0xa7: {  	s26 =	simm.s32 $execute0_lowered;
	[smem:$0x3FD2] =	sst s25  }
0xa8: {  	s7 =	sshll.u32 s26, $0x1;
	_ =	strace $0x80000046;
	[dreg:$0x1] =	wrdreg $0xFFFFFFFF  }
0xa9: {  	s28 =	simm.s32 $_size_execute0_lowered;
	s5 =	sadd.s32 s5, s7;
	[dreg:$0x0] =	wrdreg $0x0  }
0xaa: {  	s7 =	sshll.u32 s28, $0x1;
	[dreg:$0x2] =	wrdreg s5  }
0xab: {  	[dreg:$0x3] =	wrdreg s7  }
0xac: {  	[dreg:$0x4] =	wrdreg $0xC0  }
0xad: {  	_ =	task [dreg:s9], $0x5FFFF  }
0xae: {  	[dreg:$0x1] =	wrdreg $0xFFFFFFFF  }
0xaf: {  	[dreg:$0x0] =	wrdreg $0x60  }
0xb0: {  	[dreg:$0x2] =	wrdreg s2  }
0xb1: {  	[dreg:$0x3] =	wrdreg s18  }
0xb2: {  	[dreg:$0x4] =	wrdreg s24  }
0xb3: {  	[dreg:$0x5] =	wrdreg s4  }
0xb4: {  	[dreg:$0x6] =	wrdreg $0x9  }
0xb5: {  	_ =	task.clear_ibuf [dreg:s9], $0x7FFFF;
	_ =	strace $0x90000046  }
0xb6: {  	s29 =	simm.s32 $0x9;
	_ =	strace $0x80000048  }
0xb7: {  	_ =	swait.ge [sflag:s29], $0x1  }
0xb8: {  	[sflag:s29] =	ssyncadd.s32 $0xFFFFFFFF  }
0xb9: {  	_ =	strace $0x90000048  }
0xba: {  	_ =	sfence  }
0xbb: {  	s30 =	sld [smem:$0x0];
	_ =	sdelay $0x2  }
0xbc: {  	s31 =	sshll.u32 s1, $0xD;
	s1 =	sshrl.u32 s1, $0x2  }
0xbd: {  	s3 =	sand.u32 $0x4000, s31;
	s1 =	sadd.s32 s1, s30  }
0xbe: {  	s0 =	sor.u32 s3, s0;
	s1 =	sshll.u32 s1, $0x11  }
0xbf: {  	s0 =	sor.u32 s1, s0  }
0xc0: {  	s0 =	sadd.s32 $0x8F2B, s0  }
0xc1: {  	[sflag:s0] =	ssyncadd.remote.s32 $0x1  }
0xc2: {  	_ =	sfence.sel $0xFFFF  }
0xc3: {  	[dreg:$0x0] =	wrdreg $0xFFFFFFFF;
	(pc) =	sbr.abs _section_cstart, $3  }
0xc4: {  	[dreg:$0x1] =	wrdreg $0xFFFFFFFF  }
0xc5: {  	_ =	task.clear_ibuf [dreg:s9], $0x2FFFF;
	_ =	strace $0x9FFFFFFF  }
0xc6: {  	(tm) =	ssettm $0x7FFFFFFF  }
0xc7: {  	_ =	shalt  }
tec
execute0_lowered:
.L_overlay_start_1:
0x0: {  	(tag) =	ssettag $0x1  }
0x1: {  	s0 =	rddreg [dreg:$0x0]  }
0x2: {  	s2 =	rddreg [dreg:$0x1]  }
0x3: {  	s4 =	rddreg [dreg:$0x2]  }
0x4: {  	s7 =	rddreg [dreg:$0x3];
	s1 =	simm.s32 $0x0  }
0x5: {  	s3 =	srdreg.scid;
	s9 =	stileid.u32;
	s10 =	simm.s32 $0x200  }
0x6: {  	s11 =	simm.s32 $0x80;
	s16 =	simm.s32 $0x680;
	s17 =	simm.s32 $0x100  }
0x7: {  	s18 =	simm.s32 $0x500;
	s19 =	simm.s32 $0x300;
	s20 =	simm.s32 $0x700  }
0x8: {  	s21 =	simm.s32 $0x180;
	s22 =	simm.s32 $0x580;
	s23 =	simm.s32 $0x380  }
0x9: {  	s24 =	simm.s32 $0x780;
	s25 =	simm.s32 $0x1;
	s26 =	simm.s32 $0x2  }
0xa: {  	s28 =	simm.s32 $0x800;
	s29 =	simm.s32 $0x0;
	[smem:$0x7FF] =	sst s1  }
0xb: {  	s5 =	sand.u32 $0x1, s3;
	s3 =	sadd.s32 $0x3E00, s4;
	s9 =	sshll.u32 s9, $0x7  }
0xc: {  	s4 =	sadd.s32 $0xC00, s4;
	s6 =	ssub.s32 $0x2, s5;
	s5 =	sshll.u32 s5, $0x6  }
0xd: {  	_ =	strace $0x80000047;
	s8 =	sshrl.u32 s6, $0x1;
	s9 =	sor.u32 s5, s9  }
0xe: {  	s8 =	ssub.s32 s6, s8;
	s5 =	sadd.s32 s0, s9;
	s6 =	sadd.s32 s2, s9  }
0xf: {  	s7 =	sadd.s32 s7, s9;
	s9 =	simm.s32 $0x3;
	s8 =	smax.u32 s8, $0x1  }
.LBB2_1:
0x10: {  	[tilespmem:s1], [sflag:$0x3] =	stream.linear.gather [hbm4b:s5+s1], $0x200, $0x38;
	[tilespmem:$0xA00] =	vst v63  }
0x11: {  	_ =	swait.ge [sflag:s9], $0x200  }
0x12: {  	[sflag:s9] =	ssyncset.done $0x0  }
0x13: {  	[sflag:s9] =	ssyncadd.s32 $0xFFFFFE00  }
0x14: {  	[tilespmem:s10], [sflag:$0x3] =	stream.linear.gather [hbm4b:s6+s1], $0x200, $0x38;
	[tilespmem:$0xA00] =	vst v63  }
0x15: {  	_ =	swait.ge [sflag:s9], $0x200  }
0x16: {  	[sflag:s9] =	ssyncset.done $0x0  }
0x17: {  	s0 =	simm.s32 $0x400;
	[sflag:s9] =	ssyncadd.s32 $0xFFFFFE00  }
0x18: {  	[tilespmem:s0], [sflag:$0x1] =	stream.indirect.gather [hbm4b:s3+s11], $0x1, s1, s11, $0xb8;
	[tilespmem:$0xA00] =	vst v63  }
0x19: {  	s13 =	simm.s32 $0x600  }
0x1a: {  	[tilespmem:s13], [sflag:$0x2] =	stream.indirect.gather [hbm4b:s4+s11], $0x1, s10, s11, $0xb8;
	[tilespmem:$0xA00] =	vst v63  }
0x1b: {  	s14 =	simm.s32 $0x480  }
0x1c: {  	[tilespmem:s14], [sflag:$0x1] =	stream.indirect.gather [hbm4b:s3+s11], $0x1, s11, s11, $0xb8;
	[tilespmem:$0xA00] =	vst v63  }
0x1d: {  	s15 =	simm.s32 $0x280  }
0x1e: {  	[tilespmem:s16], [sflag:$0x2] =	stream.indirect.gather [hbm4b:s4+s11], $0x1, s15, s11, $0xb8;
	[tilespmem:$0xA00] =	vst v63  }
0x1f: {  	_ = 	snop  }
0x20: {  	[tilespmem:s18], [sflag:$0x1] =	stream.indirect.gather [hbm4b:s3+s11], $0x1, s17, s11, $0xb8;
	[tilespmem:$0xA00] =	vst v63  }
0x21: {  	_ = 	snop  }
0x22: {  	[tilespmem:s20], [sflag:$0x2] =	stream.indirect.gather [hbm4b:s4+s11], $0x1, s19, s11, $0xb8;
	[tilespmem:$0xA00] =	vst v63  }
0x23: {  	_ = 	snop  }
0x24: {  	[tilespmem:s22], [sflag:$0x1] =	stream.indirect.gather [hbm4b:s3+s11], $0x1, s21, s11, $0xb8;
	[tilespmem:$0xA00] =	vst v63  }
0x25: {  	_ = 	snop  }
0x26: {  	[tilespmem:s24], [sflag:$0x2] =	stream.indirect.gather [hbm4b:s4+s11], $0x1, s23, s11, $0xb8;
	[tilespmem:$0xA00] =	vst v63  }
0x27: {  	_ =	swait.ge [sflag:s25], $0x80  }
0x28: {  	[sflag:s25] =	ssyncset.done $0x0  }
0x29: {  	[sflag:s25] =	ssyncadd.s32 $0xFFFFFF80  }
0x2a: {  	_ =	swait.ge [sflag:s26], $0x80  }
0x2b: {  	[sflag:s26] =	ssyncset.done $0x0  }
0x2c: {  	[sflag:s26] =	ssyncadd.s32 $0xFFFFFF80  }
0x2d: {  	_ =	swait.ge [sflag:s25], $0x80  }
0x2e: {  	[sflag:s25] =	ssyncset.done $0x0  }
0x2f: {  	[sflag:s25] =	ssyncadd.s32 $0xFFFFFF80  }
0x30: {  	_ =	swait.ge [sflag:s26], $0x80  }
0x31: {  	[sflag:s26] =	ssyncset.done $0x0  }
0x32: {  	[sflag:s26] =	ssyncadd.s32 $0xFFFFFF80  }
0x33: {  	_ =	swait.ge [sflag:s25], $0x80  }
0x34: {  	[sflag:s25] =	ssyncset.done $0x0  }
0x35: {  	[sflag:s25] =	ssyncadd.s32 $0xFFFFFF80  }
0x36: {  	_ =	swait.ge [sflag:s26], $0x80  }
0x37: {  	[sflag:s26] =	ssyncset.done $0x0  }
0x38: {  	[sflag:s26] =	ssyncadd.s32 $0xFFFFFF80  }
0x39: {  	_ =	swait.ge [sflag:s25], $0x80  }
0x3a: {  	[sflag:s25] =	ssyncset.done $0x0  }
0x3b: {  	[sflag:s25] =	ssyncadd.s32 $0xFFFFFF80  }
0x3c: {  	_ =	swait.ge [sflag:s26], $0x80  }
0x3d: {  	[sflag:s26] =	ssyncset.done $0x0  }
0x3e: {  	s30 =	simm.s32 $0x0;
	[sflag:s26] =	ssyncadd.s32 $0xFFFFFF80  }
0x3f: {  	v0 =	vld [tilespmem:s30+$0x400]  }
0x40: {  	v1 =	vld [tilespmem:s30+$0x600];
	_ =	sdelay $0x3  }
0x41: {  	s31 =	simm.s32 $0x10  }
0x42: {  	v2 =	vld [tilespmem:s31+$0x600];
	v0 =	vadd.f32 v1, v0  }
0x43: {  	v1 =	vld [tilespmem:s31+$0x400]  }
0x44: {  	v0 =	vsub.f32 $0.0e+00, v0;
	_ =	sdelay $0x1  }
0x45: {  	s0 =	simm.s32 $0x20;
	v0 =	vmul.f32 $1.442695020e+00, v0  }
0x46: {  	v3 =	vld [tilespmem:s0+$0x400]  }
0x47: {  	v1 =	vadd.f32 v2, v1;
	(erf) = vpow2.f32 v0;
	v0 =	vld [tilespmem:s0+$0x600];
	_ =	sdelay $0x1  }
0x48: {  	v1 =	vsub.f32 $0.0e+00, v1;
	_ =	sdelay $0x1  }
0x49: {  	s2 =	simm.s32 $0x30;
	v1 =	vmul.f32 $1.442695020e+00, v1  }
0x4a: {  	v2 =	vld [tilespmem:s2+$0x400];
	v0 =	vadd.f32 v0, v3  }
0x4b: {  	(erf) = vpow2.f32 v1;
	v1 =	vld [tilespmem:s2+$0x600]  }
0x4c: {  	v0 =	vsub.f32 $0.0e+00, v0;
	_ =	sdelay $0x1  }
0x4d: {  	s12 =	simm.s32 $0x40;
	v3 =	vpop (erf);
	v0 =	vmul.f32 $1.442695020e+00, v0  }
0x4e: {  	v4 =	vld [tilespmem:s12+$0x400];
	v3 =	vadd.f32 $1.000000000e+00, v3  }
0x4f: {  	v1 =	vadd.f32 v1, v2;
	(erf) = vpow2.f32 v0;
	v0 =	vld [tilespmem:s12+$0x600]  }
0x50: {  	(erf) = vrcp.f32 v3  }
0x51: {  	v1 =	vsub.f32 $0.0e+00, v1;
	_ =	sdelay $0x1  }
0x52: {  	v2 =	vpop (erf);
	v1 =	vmul.f32 $1.442695020e+00, v1  }
0x53: {  	s13 =	simm.s32 $0x50;
	v2 =	vadd.f32 $1.000000000e+00, v2;
	v0 =	vadd.f32 v0, v4  }
0x54: {  	(erf) = vpow2.f32 v1;
	v1 =	vld [tilespmem:s13+$0x600]  }
0x55: {  	(erf) = vrcp.f32 v2;
	v4 =	vsub.f32 $0.0e+00, v0;
	v0 =	vld [tilespmem:s13+$0x400];
	_ =	sdelay $0x1  }
0x56: {  	v3 =	vpop (erf)  }
0x57: {  	s14 =	simm.s32 $0x180;
	v4 =	vmul.f32 $1.442695020e+00, v4;
	v2 =	vpop (erf)  }
.LBB2_2:
0x58: {  	s15 =	sshra.s32 s14, $0x2;
	v3 =	vadd.f32 $1.000000000e+00, v3;
	v2 =	vmul.f32 $5.000000000e+00, v2;
	p0 =	sne.s32 s14, $0x7C0  }
.Ltmp0:
0x59: {  	v5 =	vadd.f32 v1, v0;
	v0 =	vld [tilespmem:s15+$0x400];
	(erf) = vpow2.f32 v4;
	(pc) =	sbr.rel @p0 .LBB2_2-.Ltmp0, $4  }
0x5a: {  	s14 =	sadd.s32 $0x40, s14;
	v1 =	vld [tilespmem:s15+$0x600];
	(erf) = vrcp.f32 v3;
	[tilespmem:s30+$0x800] =	vst v2;
	s30 =	smov.u32 s31  }
0x5b: {  	s31 =	smov.u32 s0;
	s0 =	smov.u32 s2;
	s2 =	smov.u32 s12;
	v5 =	vsub.f32 $0.0e+00, v5  }
0x5c: {  	s12 =	smov.u32 s13;
	s13 =	smov.u32 s15;
	v3 =	vpop (erf)  }
0x5d: {  	v4 =	vmul.f32 $1.442695020e+00, v5;
	v2 =	vpop (erf)  }
0x5e: {  	_ = 	snop  }
0x5f: {  	v0 =	vadd.f32 v1, v0;
	_ =	sdelay $0x1  }
0x60: {  	v0 =	vsub.f32 $0.0e+00, v0  }
0x61: {  	v50 =	vadd.f32 $1.000000000e+00, v3  }
0x62: {  	(erf) = vpow2.f32 v4;
	v0 =	vmul.f32 $1.442695020e+00, v0  }
0x63: {  	(erf) = vrcp.f32 v50  }
0x64: {  	(erf) = vpow2.f32 v0;
	_ =	sdelay $0x4  }
0x65: {  	v51 =	vpop (erf)  }
0x66: {  	v52 =	vpop (erf)  }
0x67: {  	v53 =	vpop (erf)  }
0x68: {  	v0 =	vadd.f32 $1.000000000e+00, v51;
	v54 =	vpop (erf)  }
0x69: {  	v3 =	vadd.f32 $1.000000000e+00, v53;
	v5 =	vpop (erf)  }
0x6a: {  	(erf) = vrcp.f32 v0;
	v55 =	vadd.f32 $1.000000000e+00, v5  }
0x6b: {  	(erf) = vrcp.f32 v3  }
0x6c: {  	(erf) = vrcp.f32 v55;
	_ =	sdelay $0x4  }
0x6d: {  	v56 =	vmul.f32 $5.000000000e+00, v2  }
0x6e: {  	v1 =	vmul.f32 $5.000000000e+00, v52  }
0x6f: {  	[tilespmem:s30+$0x800] =	vst v56;
	v57 =	vmul.f32 $5.000000000e+00, v54;
	v58 =	vpop (erf)  }
0x70: {  	[tilespmem:s31+$0x800] =	vst v1;
	v59 =	vmul.f32 $5.000000000e+00, v58;
	v60 =	vpop (erf)  }
0x71: {  	[tilespmem:s0+$0x800] =	vst v57;
	v61 =	vmul.f32 $5.000000000e+00, v60;
	v62 =	vpop (erf)  }
0x72: {  	s29 =	sadd.s32 $0x1, s29;
	[tilespmem:s2+$0x800] =	vst v59;
	v63 =	vmul.f32 $5.000000000e+00, v62  }
0x73: {  	p0 =	sne.s32 s29, s8;
	[tilespmem:s12+$0x800] =	vst v61  }
.Ltmp1:
0x74: {  	[tilespmem:s13+$0x800] =	vst v63;
	(pc) =	sbr.rel @p0 .LBB2_1-.Ltmp1, $4  }
0x75: {  	[hbm4b:s7+s1] =	stream.linear.scatter [tilespmem:s28], [sflag:$0x3], $0x200, $0x38;
	[tilespmem:$0xA00] =	vst v63  }
0x76: {  	_ =	swait.ge [sflag:s9], $0x200  }
0x77: {  	[sflag:s9] =	ssyncset.done $0x0  }
0x78: {  	[sflag:s9] =	ssyncadd.s32 $0xFFFFFE00  }
0x79: {  	_ =	sfence.sel $0x180000  }
0x7a: {  	[bflag:$0x0] =	sbarrier.arrive $0xFFFF  }
0x7b: {  	_ =	strace $0x90000047  }
0x7c: {  	s0 =	stileid.u32;
	[bflag:$0x2] =	sbarrier.arrive $0xFFFF  }
0x7d: {  	p0 =	sne.s32 s0, $0x0;
	s0 =	rddreg [dreg:$0x4]  }
0x7e: {  	s0 =	sadd.s32 @!p0 $0x100000, s0  }
0x7f: {  	[sflag:s0] =	ssyncadd.tile.s32 @!p0 $0x1;
	_ =	shalt  }
.Lfunc_end2:
_tile_overlayer_lowered:
.L_overlay_start_2:
0x80: {  	(tag) =	ssettag $0x2  }
0x81: {  	s0 =	rddreg [dreg:$0x0];
	s2 =	stileid.u32  }
0x82: {  	s1 =	rddreg [dreg:$0x1];
	p0 =	sne.s32 s2, $0x0  }
0x83: {  	s3 =	rddreg [dreg:$0x2];
	[bflag:$0x3] =	sbarrier.arrive $0xFFFF;
	s2 =	simm.s32 @!p0 $0x1C03  }
0x84: {  	[timem:s3], [sflag:s2] =	dma.local @!p0 [hbm:s0], s1  }
0x85: {  	s0 =	simm.s32 @!p0 $0x3  }
0x86: {  	_ =	swait.ge @!p0 [sflag:s0], s1  }
0x87: {  	s1 =	ssub.s32 @!p0 $0x0, s1;
	[sflag:s0] =	ssyncset.done @!p0 $0x0  }
0x88: {  	[sflag:s0] =	ssyncadd.s32 @!p0 s1  }
0x89: {  	[bflag:$0x3] =	sbarrier.arrive $0xFFFF  }
0x8a: {  	_ =	shalt  }

</sc_bundles>
